<compile_context>
chip_gen: v7x
topology: tpu7x:2x2x1
jax: 0.10.2.dev20260603
libtpu: 0.0.44.dev20260713+nightly
codegen_flags: <defaults>
</compile_context>

<pallas_src>
import functools

import jax
import jax.numpy as jnp
from jax import lax
from jax.experimental import pallas as pl
from jax.experimental.pallas import tpu as pltpu
from jax.experimental.pallas import tpu_sc as plsc


@functools.partial(jax.jit, static_argnames=("n",))
def _broadcast_sc(pos_embed, n):
    seq_len, d_model = pos_embed.shape
    info = plsc.get_sparse_core_info()
    num_workers = info.num_cores * info.num_subcores
    assert seq_len % num_workers == 0
    rows = seq_len // num_workers

    mesh = plsc.VectorSubcoreMesh(core_axis_name="c", subcore_axis_name="s")

    @functools.partial(
        pl.kernel,
        mesh=mesh,
        out_type=jax.ShapeDtypeStruct((seq_len, n, d_model), jnp.float32),
        scratch_types=[
            pltpu.VMEM((rows, 1, d_model), jnp.float32),
            pltpu.SemaphoreType.DMA,
        ],
    )
    def k(emb_hbm, out_hbm, buf, sem):
        wid = lax.axis_index("s") * info.num_cores + lax.axis_index("c")
        base = wid * rows
        pltpu.sync_copy(emb_hbm.at[pl.ds(base, rows)], buf.at[:, 0])
        copies = [
            pltpu.async_copy(
                buf, out_hbm.at[pl.ds(base, rows), pl.ds(j, 1)], sem
            )
            for j in range(n)
        ]
        for c in copies:
            c.wait()

    return k(pos_embed)


def kernel(z, pos_embed):
    if z.ndim == 2:
        n = z.shape[0]
    elif z.ndim == 3:
        n = z.shape[1]
    else:
        raise Exception
    return _broadcast_sc(pos_embed, n)

# --- scband reference (transcript-rebuilt; emitter-appended) ---
"""Pipeline reference for scband-const-embedding-10393820856357 (READ-ONLY COPY).

The authoritative reference and input builder live on the scoring server;
editing this copy changes nothing except your own understanding.
"""

import jax, jax.numpy as jnp
import numpy as np

D_MODEL = 1024
SEQ_LEN = 2048
N = 4

def setup_inputs(seed: int = 0) -> dict:
    key = jax.random.key(seed)
    k1, k2 = jax.random.split(key)
    z = jax.random.normal(k1, (N, D_MODEL), dtype=jnp.float32)
    # pos_embed weight: nn.Embedding(max_len=SEQ_LEN, d_model), kaiming_normal_ fan_in
    std = float(np.sqrt(2.0 / D_MODEL))
    pos_embed = jax.random.normal(k2, (SEQ_LEN, D_MODEL), dtype=jnp.float32) * std
    return {"z": z, "pos_embed": pos_embed}

def reference(z, pos_embed):
    # ConstEmbedding.forward: N inferred from z; builds zeros(seq_len, N, d_model)
    if z.ndim == 2:
        n = z.shape[0]
    elif z.ndim == 3:
        n = z.shape[1]
    else:
        raise Exception
    seq_len, d_model = pos_embed.shape
    # PositionalEncodingLUT: pos = position[:seq_len] -> [seq_len, 1]
    pos = jnp.arange(seq_len, dtype=jnp.int64 if jax.config.jax_enable_x64 else jnp.int32)[:, None]
    emb = jnp.take(pos_embed, pos[:, 0], axis=0)  # [seq_len, d_model]
    emb = emb[:, None, :]  # [seq_len, 1, d_model]
    out = jnp.tile(emb, (1, n, 1))  # repeat(1, N, 1) -> [seq_len, N, d_model]
    # dropout in eval mode is identity
    return out

if __name__ == "__main__":
    import jax
    _d = setup_inputs()
    print(jax.jit(kernel)(*tuple(_d.values())))

</pallas_src>

<mosaic_0001>
#map = affine_map<(d0, d1) -> (0, 0)>
#map1 = affine_map<(d0, d1) -> (0, 0, 0)>
module attributes {stable_mosaic.version = 14 : i64} {
  func.func @k(%arg0: i32, %arg1: i32, %arg2: memref<2048x1024xf32, #tpu.memory_space<hbm>>, %arg3: memref<2048x4x1024xf32, #tpu.memory_space<hbm>>, %arg4: memref<64x1x1024xf32, #tpu.memory_space<vmem>>, %arg5: memref<!tpu.dma_semaphore, #tpu.memory_space<semaphore_mem>>) attributes {dimension_semantics = [#tpu.dimension_semantics<core_parallel>, #tpu.dimension_semantics<subcore_parallel>], iteration_bounds = array<i64: 2, 16>, scalar_prefetch = 0 : i64, scratch_operands = 2 : i64, tpu.core_type = #tpu.core_type<sc_vector_subcore>, window_params = [{transform_indices = #map}, {transform_indices = #map1}]} {
    %mul3A = arith.constant 2 : i32
    %mul3A_0 = arith.muli %arg1, %mul3A : i32
    %add3A = arith.addi %mul3A_0, %arg0 : i32
    %mul3A_1 = arith.constant 64 : i32
    %mul3A_2 = arith.muli %add3A, %mul3A_1 : i32
    %run_scoped3A = arith.constant 0 : i32
    "tpu.region"() ({
      %run_scoped3A_49 = tpu.sem_alloc : memref<!tpu.dma_semaphore, #tpu.memory_space<semaphore_mem>>
      %dma_start3A_50 = arith.constant 0 : i32
      %dma_start3A_51 = arith.constant 0 : i32
      %dma_start3A_52 = tpu.memref_slice %arg4[%dma_start3A_50, %run_scoped3A, %dma_start3A_51] : memref<64x1x1024xf32, #tpu.memory_space<vmem>> -> memref<64x1x1024xf32, #tpu.memory_space<vmem>>
      %dma_start3A_53 = tpu.memref_squeeze %dma_start3A_52 : memref<64x1x1024xf32, #tpu.memory_space<vmem>> -> memref<64x1024xf32, #tpu.memory_space<vmem>>
      %dma_start3A_54 = arith.constant 0 : i32
      %dma_start3A_55 = tpu.memref_slice %arg2[%mul3A_2, %dma_start3A_54] : memref<2048x1024xf32, #tpu.memory_space<hbm>> -> memref<64x1024xf32, #tpu.memory_space<hbm>>
      %dma_start3A_56 = arith.constant 0 : i32
      %dma_start3A_57 = arith.constant 0 : i32
      %dma_start3A_58 = tpu.memref_slice %arg4[%dma_start3A_56, %run_scoped3A, %dma_start3A_57] : memref<64x1x1024xf32, #tpu.memory_space<vmem>> -> memref<64x1x1024xf32, #tpu.memory_space<vmem>>
      %dma_start3A_59 = tpu.memref_squeeze %dma_start3A_58 : memref<64x1x1024xf32, #tpu.memory_space<vmem>> -> memref<64x1024xf32, #tpu.memory_space<vmem>>
      %dma_start3A_60 = arith.constant 0 : i32
      %dma_start3A_61 = tpu.memref_slice %arg2[%mul3A_2, %dma_start3A_60] : memref<2048x1024xf32, #tpu.memory_space<hbm>> -> memref<64x1024xf32, #tpu.memory_space<hbm>>
      tpu.enqueue_dma source(%dma_start3A_61 : memref<64x1024xf32, #tpu.memory_space<hbm>>) target(%dma_start3A_59 : memref<64x1024xf32, #tpu.memory_space<vmem>>) target_semaphore(%run_scoped3A_49 : memref<!tpu.dma_semaphore, #tpu.memory_space<semaphore_mem>>)
      %dma_wait3A_62 = arith.constant 0 : i32
      %dma_wait3A_63 = arith.constant 0 : i32
      %dma_wait3A_64 = tpu.memref_slice %arg4[%dma_wait3A_62, %run_scoped3A, %dma_wait3A_63] : memref<64x1x1024xf32, #tpu.memory_space<vmem>> -> memref<64x1x1024xf32, #tpu.memory_space<vmem>>
      %dma_wait3A_65 = tpu.memref_squeeze %dma_wait3A_64 : memref<64x1x1024xf32, #tpu.memory_space<vmem>> -> memref<64x1024xf32, #tpu.memory_space<vmem>>
      %dma_wait3A_66 = arith.constant 0 : i32
      %dma_wait3A_67 = tpu.memref_slice %arg2[%mul3A_2, %dma_wait3A_66] : memref<2048x1024xf32, #tpu.memory_space<hbm>> -> memref<64x1024xf32, #tpu.memory_space<hbm>>
      %dma_wait3A_68 = arith.constant 0 : i32
      %dma_wait3A_69 = arith.constant 0 : i32
      %dma_wait3A_70 = tpu.memref_slice %arg4[%dma_wait3A_68, %run_scoped3A, %dma_wait3A_69] : memref<64x1x1024xf32, #tpu.memory_space<vmem>> -> memref<64x1x1024xf32, #tpu.memory_space<vmem>>
      %dma_wait3A_71 = tpu.memref_squeeze %dma_wait3A_70 : memref<64x1x1024xf32, #tpu.memory_space<vmem>> -> memref<64x1024xf32, #tpu.memory_space<vmem>>
      %dma_wait3A_72 = arith.constant 0 : i32
      %dma_wait3A_73 = tpu.memref_slice %arg2[%mul3A_2, %dma_wait3A_72] : memref<2048x1024xf32, #tpu.memory_space<hbm>> -> memref<64x1024xf32, #tpu.memory_space<hbm>>
      tpu.wait_dma2 semaphore(%run_scoped3A_49 : memref<!tpu.dma_semaphore, #tpu.memory_space<semaphore_mem>>) src(%dma_wait3A_73 : memref<64x1024xf32, #tpu.memory_space<hbm>>) dst(%dma_wait3A_71 : memref<64x1024xf32, #tpu.memory_space<vmem>>)
      tpu.yield
    }) : () -> ()
    %dma_start3A = arith.constant 0 : i32
    %dma_start3A_3 = arith.constant 0 : i32
    %dma_start3A_4 = tpu.memref_slice %arg3[%mul3A_2, %dma_start3A, %dma_start3A_3] : memref<2048x4x1024xf32, #tpu.memory_space<hbm>> -> memref<64x1x1024xf32, #tpu.memory_space<hbm>>
    %dma_start3A_5 = arith.constant 0 : i32
    %dma_start3A_6 = arith.constant 0 : i32
    %dma_start3A_7 = tpu.memref_slice %arg3[%mul3A_2, %dma_start3A_5, %dma_start3A_6] : memref<2048x4x1024xf32, #tpu.memory_space<hbm>> -> memref<64x1x1024xf32, #tpu.memory_space<hbm>>
    tpu.enqueue_dma source(%arg4 : memref<64x1x1024xf32, #tpu.memory_space<vmem>>) target(%dma_start3A_7 : memref<64x1x1024xf32, #tpu.memory_space<hbm>>) target_semaphore(%arg5 : memref<!tpu.dma_semaphore, #tpu.memory_space<semaphore_mem>>)
    %dma_start3A_8 = arith.constant 1 : i32
    %dma_start3A_9 = arith.constant 0 : i32
    %dma_start3A_10 = tpu.memref_slice %arg3[%mul3A_2, %dma_start3A_8, %dma_start3A_9] : memref<2048x4x1024xf32, #tpu.memory_space<hbm>> -> memref<64x1x1024xf32, #tpu.memory_space<hbm>>
    %dma_start3A_11 = arith.constant 1 : i32
    %dma_start3A_12 = arith.constant 0 : i32
    %dma_start3A_13 = tpu.memref_slice %arg3[%mul3A_2, %dma_start3A_11, %dma_start3A_12] : memref<2048x4x1024xf32, #tpu.memory_space<hbm>> -> memref<64x1x1024xf32, #tpu.memory_space<hbm>>
    tpu.enqueue_dma source(%arg4 : memref<64x1x1024xf32, #tpu.memory_space<vmem>>) target(%dma_start3A_13 : memref<64x1x1024xf32, #tpu.memory_space<hbm>>) target_semaphore(%arg5 : memref<!tpu.dma_semaphore, #tpu.memory_space<semaphore_mem>>)
    %dma_start3A_14 = arith.constant 2 : i32
    %dma_start3A_15 = arith.constant 0 : i32
    %dma_start3A_16 = tpu.memref_slice %arg3[%mul3A_2, %dma_start3A_14, %dma_start3A_15] : memref<2048x4x1024xf32, #tpu.memory_space<hbm>> -> memref<64x1x1024xf32, #tpu.memory_space<hbm>>
    %dma_start3A_17 = arith.constant 2 : i32
    %dma_start3A_18 = arith.constant 0 : i32
    %dma_start3A_19 = tpu.memref_slice %arg3[%mul3A_2, %dma_start3A_17, %dma_start3A_18] : memref<2048x4x1024xf32, #tpu.memory_space<hbm>> -> memref<64x1x1024xf32, #tpu.memory_space<hbm>>
    tpu.enqueue_dma source(%arg4 : memref<64x1x1024xf32, #tpu.memory_space<vmem>>) target(%dma_start3A_19 : memref<64x1x1024xf32, #tpu.memory_space<hbm>>) target_semaphore(%arg5 : memref<!tpu.dma_semaphore, #tpu.memory_space<semaphore_mem>>)
    %dma_start3A_20 = arith.constant 3 : i32
    %dma_start3A_21 = arith.constant 0 : i32
    %dma_start3A_22 = tpu.memref_slice %arg3[%mul3A_2, %dma_start3A_20, %dma_start3A_21] : memref<2048x4x1024xf32, #tpu.memory_space<hbm>> -> memref<64x1x1024xf32, #tpu.memory_space<hbm>>
    %dma_start3A_23 = arith.constant 3 : i32
    %dma_start3A_24 = arith.constant 0 : i32
    %dma_start3A_25 = tpu.memref_slice %arg3[%mul3A_2, %dma_start3A_23, %dma_start3A_24] : memref<2048x4x1024xf32, #tpu.memory_space<hbm>> -> memref<64x1x1024xf32, #tpu.memory_space<hbm>>
    tpu.enqueue_dma source(%arg4 : memref<64x1x1024xf32, #tpu.memory_space<vmem>>) target(%dma_start3A_25 : memref<64x1x1024xf32, #tpu.memory_space<hbm>>) target_semaphore(%arg5 : memref<!tpu.dma_semaphore, #tpu.memory_space<semaphore_mem>>)
    %dma_wait3A = arith.constant 0 : i32
    %dma_wait3A_26 = arith.constant 0 : i32
    %dma_wait3A_27 = tpu.memref_slice %arg3[%mul3A_2, %dma_wait3A, %dma_wait3A_26] : memref<2048x4x1024xf32, #tpu.memory_space<hbm>> -> memref<64x1x1024xf32, #tpu.memory_space<hbm>>
    %dma_wait3A_28 = arith.constant 0 : i32
    %dma_wait3A_29 = arith.constant 0 : i32
    %dma_wait3A_30 = tpu.memref_slice %arg3[%mul3A_2, %dma_wait3A_28, %dma_wait3A_29] : memref<2048x4x1024xf32, #tpu.memory_space<hbm>> -> memref<64x1x1024xf32, #tpu.memory_space<hbm>>
    tpu.wait_dma2 semaphore(%arg5 : memref<!tpu.dma_semaphore, #tpu.memory_space<semaphore_mem>>) src(%arg4 : memref<64x1x1024xf32, #tpu.memory_space<vmem>>) dst(%dma_wait3A_30 : memref<64x1x1024xf32, #tpu.memory_space<hbm>>)
    %dma_wait3A_31 = arith.constant 1 : i32
    %dma_wait3A_32 = arith.constant 0 : i32
    %dma_wait3A_33 = tpu.memref_slice %arg3[%mul3A_2, %dma_wait3A_31, %dma_wait3A_32] : memref<2048x4x1024xf32, #tpu.memory_space<hbm>> -> memref<64x1x1024xf32, #tpu.memory_space<hbm>>
    %dma_wait3A_34 = arith.constant 1 : i32
    %dma_wait3A_35 = arith.constant 0 : i32
    %dma_wait3A_36 = tpu.memref_slice %arg3[%mul3A_2, %dma_wait3A_34, %dma_wait3A_35] : memref<2048x4x1024xf32, #tpu.memory_space<hbm>> -> memref<64x1x1024xf32, #tpu.memory_space<hbm>>
    tpu.wait_dma2 semaphore(%arg5 : memref<!tpu.dma_semaphore, #tpu.memory_space<semaphore_mem>>) src(%arg4 : memref<64x1x1024xf32, #tpu.memory_space<vmem>>) dst(%dma_wait3A_36 : memref<64x1x1024xf32, #tpu.memory_space<hbm>>)
    %dma_wait3A_37 = arith.constant 2 : i32
    %dma_wait3A_38 = arith.constant 0 : i32
    %dma_wait3A_39 = tpu.memref_slice %arg3[%mul3A_2, %dma_wait3A_37, %dma_wait3A_38] : memref<2048x4x1024xf32, #tpu.memory_space<hbm>> -> memref<64x1x1024xf32, #tpu.memory_space<hbm>>
    %dma_wait3A_40 = arith.constant 2 : i32
    %dma_wait3A_41 = arith.constant 0 : i32
    %dma_wait3A_42 = tpu.memref_slice %arg3[%mul3A_2, %dma_wait3A_40, %dma_wait3A_41] : memref<2048x4x1024xf32, #tpu.memory_space<hbm>> -> memref<64x1x1024xf32, #tpu.memory_space<hbm>>
    tpu.wait_dma2 semaphore(%arg5 : memref<!tpu.dma_semaphore, #tpu.memory_space<semaphore_mem>>) src(%arg4 : memref<64x1x1024xf32, #tpu.memory_space<vmem>>) dst(%dma_wait3A_42 : memref<64x1x1024xf32, #tpu.memory_space<hbm>>)
    %dma_wait3A_43 = arith.constant 3 : i32
    %dma_wait3A_44 = arith.constant 0 : i32
    %dma_wait3A_45 = tpu.memref_slice %arg3[%mul3A_2, %dma_wait3A_43, %dma_wait3A_44] : memref<2048x4x1024xf32, #tpu.memory_space<hbm>> -> memref<64x1x1024xf32, #tpu.memory_space<hbm>>
    %dma_wait3A_46 = arith.constant 3 : i32
    %dma_wait3A_47 = arith.constant 0 : i32
    %dma_wait3A_48 = tpu.memref_slice %arg3[%mul3A_2, %dma_wait3A_46, %dma_wait3A_47] : memref<2048x4x1024xf32, #tpu.memory_space<hbm>> -> memref<64x1x1024xf32, #tpu.memory_space<hbm>>
    tpu.wait_dma2 semaphore(%arg5 : memref<!tpu.dma_semaphore, #tpu.memory_space<semaphore_mem>>) src(%arg4 : memref<64x1x1024xf32, #tpu.memory_space<vmem>>) dst(%dma_wait3A_48 : memref<64x1x1024xf32, #tpu.memory_space<hbm>>)
    return
  }
}

</mosaic_0001>

<sc_bundles>
// kernel: _broadcast_sc.3.cloned.1.call-start
scs
__scs_entry_jumppad:
0x0: {  	(pc) =	sbr.rel $0x88, $3  }
0x1: {  	(tag) =	ssettag $0x0;
	lr =	simm.s32 $0x1  }
0x2: {  	[smem:$0x3FA0] =	sst lr;
	_ =	strace $0xD0000000  }
0x3: {  	_ = 	snop  }
0x4: {  	_ = 	snop  }
0x5: {  	_ = 	snop  }
0x6: {  	_ = 	snop  }
0x7: {  	_ = 	snop  }
__scs_overlays_trampoline_lowered:
0x8: {  	[smem:$0x3FAF] =	sst s0  }
0x9: {  	[smem:$0x3FB0] =	sst s1  }
0xa: {  	[smem:$0x3FB1] =	sst s2  }
0xb: {  	[smem:$0x3FB2] =	sst s3  }
0xc: {  	[smem:$0x3FB3] =	sst s4  }
0xd: {  	[smem:$0x3FB4] =	sst s5  }
0xe: {  	[smem:$0x3FB5] =	sst s6  }
0xf: {  	[smem:$0x3FB6] =	sst s7  }
0x10: {  	[smem:$0x3FB7] =	sst s8  }
0x11: {  	[smem:$0x3FB8] =	sst s9;
	s0 =	simm.s32 @!p0 $0x0  }
0x12: {  	s1 =	sld [smem:$0x3F9E];
	s0 =	simm.s32 @p0 $0x1  }
0x13: {  	[smem:$0x3FB9] =	sst s0;
	s0 =	simm.s32 @!p1 $0x0  }
0x14: {  	s2 =	sld [smem:$0x3F9D];
	s0 =	simm.s32 @p1 $0x1  }
0x15: {  	[smem:$0x3FBA] =	sst s0;
	s0 =	simm.s32 @!p2 $0x0  }
0x16: {  	s3 =	sld [smem:$0x3FDB];
	s0 =	simm.s32 @p2 $0x1  }
0x17: {  	s4 =	simm.s32 $0x1BF5;
	[smem:$0x3FBC] =	sst s0  }
0x18: {  	s0 =	sld [smem:$0x3F9F];
	_ =	swait.ge [sflag:s4], $0x0  }
0x19: {  	s7 =	sld [smem:$0x3FA0]  }
0x1a: {  	s8 =	sadd.s32 $0xFFFFE003, lr  }
0x1b: {  	s9 =	sadd.s32 $0xFFFFFEF7, lr;
	s5 =	simm.s32 $0xFFFFFFFF;
	p2 =	slt.u32 s8, $0xFFFFF086  }
0x1c: {  	p1 =	slt.u32 s9, $0xF7A;
	s5 =	simm.s32 @!p2 $0x0  }
0x1d: {  	s5 =	simm.s32 @p1 $0x1;
	p0 =	seq.s32 s7, s2  }
0x1e: {  	s7 =	smul.u32 @!p0 $0xF7A, s2;
	p2 =	seq.s32 @!p0 s5, $0x0  }
0x1f: {  	s9 =	smul.u32 $0xF7A, s1;
	s8 =	simm.s32 @!p0 $0x1BF5;
	p2 =	por !p2, p0  }
0x20: {  	[sflag:s8] =	ssyncset.s32 @!p0 $0xFFFFF086;
	s6 =	sadd.s32 @!p0 s3, s7;
	s7 =	simm.s32 @!p0 $0x108  }
0x21: {  	s3 =	sadd.s32 s3, s9;
	s6 =	sadd.s32 @!p0 $0x88, s6;
	s7 =	simm.s32 @p2 $0x1082  }
0x22: {  	[simem:s7], [sflag:s8] =	dma.local @!p0 [hbm:s6], $0xF7A  }
0x23: {  	s9 =	sor.u32 $0xD0000000, s2;
	s6 =	simm.s32 $0x108;
	_ =	swait.ge @!p0 [sflag:s8], $0x0  }
0x24: {  	s3 =	sadd.s32 $0x88, s3;
	s6 =	simm.s32 @!p1 $0x1082;
	[sflag:s4] =	ssyncset.s32 $0xFFFFF086  }
0x25: {  	[simem:s6], [sflag:s4] =	dma.local [hbm:s3], $0xF7A  }
0x26: {  	[smem:$0x3FA0] =	sst s1;
	(tag) =	ssettag s2;
	_ =	strace s9  }
0x27: {  	s1 =	sld [smem:$0x3FB0]  }
0x28: {  	s2 =	sld [smem:$0x3FB1]  }
0x29: {  	s4 =	sld [smem:$0x3FB3]  }
0x2a: {  	p0 =	seq.s32 s5, $0x0;
	s5 =	sld [smem:$0x3FB4]  }
0x2b: {  	s6 =	sld [smem:$0x3FB5]  }
0x2c: {  	s7 =	sld [smem:$0x3FB6]  }
0x2d: {  	s3 =	simm.s32 $0x108;
	s8 =	sld [smem:$0x3FB7]  }
0x2e: {  	s3 =	simm.s32 @!p0 $0x1082;
	s9 =	sld [smem:$0x3FB8]  }
0x2f: {  	lr =	sadd.s32 s0, s3;
	s0 =	sld [smem:$0x3FAF]  }
0x30: {  	s3 =	sld [smem:$0x3FB2]  }
0x31: {  	[smem:$0x3FBB] =	sst s10  }
0x32: {  	s10 =	sld [smem:$0x3FB9];
	_ =	sdelay $0x3  }
0x33: {  	p0 =	seq.s32 s10, $0x1;
	s10 =	sld [smem:$0x3FBB];
	_ =	sdelay $0x3  }
0x34: {  	[smem:$0x3FBB] =	sst s10  }
0x35: {  	s10 =	sld [smem:$0x3FBA];
	_ =	sdelay $0x3  }
0x36: {  	p1 =	seq.s32 s10, $0x1;
	s10 =	sld [smem:$0x3FBB];
	_ =	sdelay $0x3  }
0x37: {  	[smem:$0x3FBB] =	sst s10  }
0x38: {  	s10 =	sld [smem:$0x3FBC]  }
0x39: {  	_ = 	snop;
	(pc) =	sbr.ind lr, $3  }
0x3a: {  	_ = 	snop  }
0x3b: {  	_ = 	snop  }
0x3c: {  	p2 =	seq.s32 s10, $0x1;
	s10 =	sld [smem:$0x3FBB]  }
0x3d: {  	_ =	shalt  }
0x3e: {  	_ =	shalt  }
0x3f: {  	_ =	shalt  }
0x40: {  	_ =	shalt  }
0x41: {  	_ =	shalt  }
0x42: {  	_ =	shalt  }
0x43: {  	_ =	shalt  }
0x44: {  	_ =	shalt  }
0x45: {  	_ =	shalt  }
0x46: {  	_ =	shalt  }
0x47: {  	_ =	shalt  }
0x48: {  	_ =	shalt  }
0x49: {  	_ =	shalt  }
0x4a: {  	_ =	shalt  }
0x4b: {  	_ =	shalt  }
0x4c: {  	_ =	shalt  }
0x4d: {  	_ =	shalt  }
0x4e: {  	_ =	shalt  }
0x4f: {  	_ =	shalt  }
0x50: {  	_ =	shalt  }
0x51: {  	_ =	shalt  }
0x52: {  	_ =	shalt  }
0x53: {  	_ =	shalt  }
0x54: {  	_ =	shalt  }
0x55: {  	_ =	shalt  }
0x56: {  	_ =	shalt  }
0x57: {  	_ =	shalt  }
0x58: {  	_ =	shalt  }
0x59: {  	_ =	shalt  }
0x5a: {  	_ =	shalt  }
0x5b: {  	_ =	shalt  }
0x5c: {  	_ =	shalt  }
0x5d: {  	_ =	shalt  }
0x5e: {  	_ =	shalt  }
0x5f: {  	_ =	shalt  }
0x60: {  	_ =	shalt  }
0x61: {  	_ =	shalt  }
0x62: {  	_ =	shalt  }
0x63: {  	_ =	shalt  }
0x64: {  	_ =	shalt  }
0x65: {  	_ =	shalt  }
0x66: {  	_ =	shalt  }
0x67: {  	_ =	shalt  }
0x68: {  	_ =	shalt  }
0x69: {  	_ =	shalt  }
0x6a: {  	_ =	shalt  }
0x6b: {  	_ =	shalt  }
0x6c: {  	_ =	shalt  }
0x6d: {  	_ =	shalt  }
0x6e: {  	_ =	shalt  }
0x6f: {  	_ =	shalt  }
0x70: {  	_ =	shalt  }
0x71: {  	_ =	shalt  }
0x72: {  	_ =	shalt  }
0x73: {  	_ =	shalt  }
0x74: {  	_ =	shalt  }
0x75: {  	_ =	shalt  }
0x76: {  	_ =	shalt  }
0x77: {  	_ =	shalt  }
0x78: {  	_ =	shalt  }
0x79: {  	_ =	shalt  }
0x7a: {  	_ =	shalt  }
0x7b: {  	_ =	shalt  }
0x7c: {  	_ =	shalt  }
0x7d: {  	_ =	shalt  }
0x7e: {  	_ =	shalt  }
0x7f: {  	_ =	shalt  }
0x80: {  	_ =	shalt  }
0x81: {  	_ =	shalt  }
0x82: {  	_ =	shalt  }
0x83: {  	_ =	shalt  }
0x84: {  	_ =	shalt  }
0x85: {  	_ =	shalt  }
0x86: {  	_ =	shalt  }
0x87: {  	_ =	shalt  }
.Lfunc_end0:
.L_simem_size_0:
called_computation_lowered:
.L_overlay_start_0:
0x88: {  	s2 =	sld [smem:$0x3FD9]  }
0x89: {  	s3 =	sld [smem:$0x3FFE];
	_ =	sdelay $0x1  }
0x8a: {  	s1 =	srdreg.scid  }
0x8b: {  	s0 =	sand.u32 $0x1, s1  }
0x8c: {  	s18 =	sshll.u32 s0, $0xA;
	s2 =	sadd.s32 s3, s2  }
0x8d: {  	s2 =	sadd.s32 s2, s18  }
0x8e: {  	[smem:$0x3FC7] =	sst s2  }
0x8f: {  	_ = 	snop  }
0x90: {  	s2 =	sld [smem:$0x3FC9]  }
0x91: {  	s19 =	sld [smem:$0x3FD0];
	(tm) =	ssettm $0x1  }
0x92: {  	s4 =	sld [smem:$0x3FFB];
	_ =	sdelay $0x3  }
0x93: {  	_ =	strace s4  }
0x94: {  	s4 =	sld [smem:$0x3FFC];
	_ =	sdelay $0x3  }
0x95: {  	_ =	strace s4  }
0x96: {  	s4 =	sld [smem:$0x3FFD];
	_ =	sdelay $0x3  }
0x97: {  	_ =	strace s4  }
0x98: {  	_ =	strace $0x8FFFFFFF  }
0x99: {  	s20 =	sld [smem:$0x3FDB];
	_ =	sdelay $0x1  }
0x9a: {  	s5 =	simm.s32 $_scs_section_size  }
0x9b: {  	s6 =	simm.s32 $_size__tile_overlayer_lowered;
	s7 =	simm.s32 $_tile_overlayer_lowered  }
0x9c: {  	s23 =	simm.s32 $0x1BFF;
	s22 =	sshll.u32 s7, $0x1;
	s4 =	sadd.s32 s5, s20  }
0x9d: {  	s8 =	simm.s32 $0x0;
	s21 =	sshll.u32 s6, $0x1;
	s6 =	sadd.s32 s22, s4  }
0x9e: {  	[timem:s8], [sflag:s23] =	dma.local [hbm:s6], s21  }
0x9f: {  	_ =	swait.ge [sflag:s23], s21  }
0xa0: {  	s5 =	ssub.s32 $0x0, s21;
	[sflag:s23] =	ssyncset.done $0x0  }
0xa1: {  	[sflag:s23] =	ssyncadd.s32 s5;
	_ =	sdelay $0x1  }
0xa2: {  	s24 =	simm.s32 $0x1B8B  }
0xa3: {  	_ =	swait.ge [sflag:s24], $0x1  }
0xa4: {  	[sflag:s24] =	ssyncset.done $0x0  }
0xa5: {  	s25 =	simm.s32 $0x1B8E;
	[sflag:s24] =	ssyncadd.s32 $0xFFFFFFFF  }
0xa6: {  	s26 =	simm.s32 $execute0_lowered;
	[smem:$0x3FD2] =	sst s25  }
0xa7: {  	s5 =	sshll.u32 s26, $0x1;
	_ =	strace $0x80000046;
	[dreg:$0x1] =	wrdreg $0xFFFFFFFF  }
0xa8: {  	s28 =	simm.s32 $_size_execute0_lowered;
	s4 =	sadd.s32 s4, s5;
	[dreg:$0x0] =	wrdreg $0x0  }
0xa9: {  	s5 =	sshll.u32 s28, $0x1;
	[dreg:$0x2] =	wrdreg s4  }
0xaa: {  	[dreg:$0x3] =	wrdreg s5  }
0xab: {  	[dreg:$0x4] =	wrdreg $0xC0  }
0xac: {  	_ =	task [dreg:s8], $0x5FFFF  }
0xad: {  	[dreg:$0x1] =	wrdreg $0xFFFFFFFF  }
0xae: {  	[dreg:$0x0] =	wrdreg $0x60  }
0xaf: {  	[dreg:$0x2] =	wrdreg s2  }
0xb0: {  	[dreg:$0x3] =	wrdreg s19  }
0xb1: {  	[dreg:$0x4] =	wrdreg $0x9  }
0xb2: {  	_ =	task.clear_ibuf [dreg:s8], $0x5FFFF;
	_ =	strace $0x90000046  }
0xb3: {  	s29 =	simm.s32 $0x9;
	_ =	strace $0x80000048  }
0xb4: {  	_ =	swait.ge [sflag:s29], $0x1  }
0xb5: {  	[sflag:s29] =	ssyncadd.s32 $0xFFFFFFFF  }
0xb6: {  	_ =	strace $0x90000048  }
0xb7: {  	_ =	sfence  }
0xb8: {  	s30 =	sld [smem:$0x0];
	_ =	sdelay $0x2  }
0xb9: {  	s31 =	sshll.u32 s1, $0xD;
	s1 =	sshrl.u32 s1, $0x2  }
0xba: {  	s3 =	sand.u32 $0x4000, s31;
	s1 =	sadd.s32 s1, s30  }
0xbb: {  	s0 =	sor.u32 s3, s0;
	s1 =	sshll.u32 s1, $0x11  }
0xbc: {  	s0 =	sor.u32 s1, s0  }
0xbd: {  	s0 =	sadd.s32 $0x8F2B, s0  }
0xbe: {  	[sflag:s0] =	ssyncadd.remote.s32 $0x1  }
0xbf: {  	_ =	sfence.sel $0xFFFF  }
0xc0: {  	[dreg:$0x0] =	wrdreg $0xFFFFFFFF;
	(pc) =	sbr.abs _section_cstart, $3  }
0xc1: {  	[dreg:$0x1] =	wrdreg $0xFFFFFFFF  }
0xc2: {  	_ =	task.clear_ibuf [dreg:s8], $0x2FFFF;
	_ =	strace $0x9FFFFFFF  }
0xc3: {  	(tm) =	ssettm $0x7FFFFFFF  }
tec
execute0_lowered:
.L_overlay_start_1:
0x0: {  	(tag) =	ssettag $0x1  }
0x1: {  	s4 =	rddreg [dreg:$0x0]  }
0x2: {  	s3 =	rddreg [dreg:$0x1]  }
0x3: {  	s0 =	rddreg [dreg:$0x2];
	s5 =	srdreg.scid  }
0x4: {  	s1 =	stileid.u32;
	s2 =	simm.s32 $0x0;
	s9 =	simm.s32 $0x80  }
0x5: {  	s10 =	simm.s32 $0x400;
	s11 =	simm.s32 $0x2;
	s12 =	simm.s32 $0x200  }
0x6: {  	s13 =	simm.s32 $0x1;
	s5 =	sand.u32 $0x1, s5;
	s6 =	sshll.u32 s1, $0x1  }
0x7: {  	s14 =	simm.s32 $0x0;
	[smem:$0x7FF] =	sst s2;
	s6 =	sor.u32 s5, s6  }
0x8: {  	_ =	strace $0x80000047;
	s5 =	ssub.s32 $0x2, s5;
	s7 =	sshll.u32 s6, $0xF  }
0x9: {  	s8 =	sshrl.u32 s5, $0x1;
	s6 =	sshll.u32 s6, $0xD;
	s3 =	sadd.s32 s3, s7  }
0xa: {  	s8 =	ssub.s32 s5, s8;
	s4 =	sadd.s32 s4, s6;
	s5 =	sadd.s32 $0x10, s3  }
0xb: {  	s6 =	sadd.s32 $0x20, s3;
	s7 =	sadd.s32 $0x30, s3;
	s8 =	smax.u32 s8, $0x1  }
.LBB2_1:
0xc: {  	s15 =	simm.s32 $0x0  }
0xd: {  	[tilespmem:s15], [sflag:$0x2] =	stream.strided.gather [hbm4b:s4+s9], $0x400, s10, s9, $0x38;
	[tilespmem:$0x10000] =	vst v63  }
0xe: {  	s20 =	sadd.s32 $0x10, s4;
	s16 =	simm.s32 $0x400  }
0xf: {  	[tilespmem:s16], [sflag:$0x2] =	stream.strided.gather [hbm4b:s20+s9], $0x400, s10, s9, $0x38;
	[tilespmem:$0x10000] =	vst v63  }
0x10: {  	s21 =	sadd.s32 $0x20, s4;
	s22 =	simm.s32 $0x800  }
0x11: {  	[tilespmem:s22], [sflag:$0x2] =	stream.strided.gather [hbm4b:s21+s9], $0x400, s10, s9, $0x38;
	[tilespmem:$0x10000] =	vst v63  }
0x12: {  	s23 =	sadd.s32 $0x30, s4;
	s24 =	simm.s32 $0xC00;
	s25 =	sadd.s32 $0x40, s4  }
0x13: {  	[tilespmem:s24], [sflag:$0x2] =	stream.strided.gather [hbm4b:s23+s9], $0x400, s10, s9, $0x38;
	[tilespmem:$0x10000] =	vst v63  }
0x14: {  	s26 =	simm.s32 $0x1000;
	s28 =	sadd.s32 $0x50, s4;
	s29 =	simm.s32 $0x1400  }
0x15: {  	[tilespmem:s26], [sflag:$0x2] =	stream.strided.gather [hbm4b:s25+s9], $0x400, s10, s9, $0x38;
	[tilespmem:$0x10000] =	vst v63  }
0x16: {  	s30 =	sadd.s32 $0x60, s4;
	s31 =	simm.s32 $0x1800;
	s17 =	sadd.s32 $0x70, s4  }
0x17: {  	[tilespmem:s29], [sflag:$0x2] =	stream.strided.gather [hbm4b:s28+s9], $0x400, s10, s9, $0x38;
	[tilespmem:$0x10000] =	vst v63  }
0x18: {  	s18 =	simm.s32 $0x1C00;
	s15 =	simm.s32 $0x8000;
	s16 =	sadd.s32 $0x400, s4  }
0x19: {  	[tilespmem:s31], [sflag:$0x2] =	stream.strided.gather [hbm4b:s30+s9], $0x400, s10, s9, $0x38;
	[tilespmem:$0x10000] =	vst v63  }
.LBB2_2:
0x1a: {  	[tilespmem:s18], [sflag:$0x2] =	stream.strided.gather [hbm4b:s17+s9], $0x400, s10, s9, $0x38;
	[tilespmem:$0x10000] =	vst v63  }
0x1b: {  	s18 =	sshra.s32 s15, $0x2;
	p0 =	sne.s32 s15, $0x38000;
	s15 =	sadd.s32 $0x8000, s15  }
0x1c: {  	[tilespmem:s18], [sflag:$0x2] =	stream.strided.gather [hbm4b:s16+s9], $0x400, s10, s9, $0x38;
	[tilespmem:$0x10000] =	vst v63  }
0x1d: {  	s17 =	sadd.s32 $0x10, s16;
	s19 =	sadd.s32 $0x400, s18  }
0x1e: {  	[tilespmem:s19], [sflag:$0x2] =	stream.strided.gather [hbm4b:s17+s9], $0x400, s10, s9, $0x38;
	[tilespmem:$0x10000] =	vst v63  }
0x1f: {  	s17 =	sadd.s32 $0x20, s16;
	s19 =	sadd.s32 $0x800, s18  }
0x20: {  	[tilespmem:s19], [sflag:$0x2] =	stream.strided.gather [hbm4b:s17+s9], $0x400, s10, s9, $0x38;
	[tilespmem:$0x10000] =	vst v63  }
0x21: {  	s17 =	sadd.s32 $0x30, s16;
	s19 =	sadd.s32 $0xC00, s18  }
0x22: {  	[tilespmem:s19], [sflag:$0x2] =	stream.strided.gather [hbm4b:s17+s9], $0x400, s10, s9, $0x38;
	[tilespmem:$0x10000] =	vst v63  }
0x23: {  	s17 =	sadd.s32 $0x40, s16;
	s19 =	sadd.s32 $0x1000, s18  }
0x24: {  	[tilespmem:s19], [sflag:$0x2] =	stream.strided.gather [hbm4b:s17+s9], $0x400, s10, s9, $0x38;
	[tilespmem:$0x10000] =	vst v63  }
.Ltmp0:
0x25: {  	s17 =	sadd.s32 $0x50, s16;
	s19 =	sadd.s32 $0x1400, s18;
	(pc) =	sbr.rel @p0 .LBB2_2-.Ltmp0, $4  }
0x26: {  	[tilespmem:s19], [sflag:$0x2] =	stream.strided.gather [hbm4b:s17+s9], $0x400, s10, s9, $0x38;
	[tilespmem:$0x10000] =	vst v63  }
0x27: {  	s17 =	sadd.s32 $0x60, s16;
	s19 =	sadd.s32 $0x1800, s18  }
0x28: {  	[tilespmem:s19], [sflag:$0x2] =	stream.strided.gather [hbm4b:s17+s9], $0x400, s10, s9, $0x38;
	[tilespmem:$0x10000] =	vst v63  }
0x29: {  	s18 =	sadd.s32 $0x1C00, s18;
	s17 =	sadd.s32 $0x70, s16;
	s16 =	sadd.s32 $0x400, s16  }
0x2a: {  	[tilespmem:s18], [sflag:$0x2] =	stream.strided.gather [hbm4b:s17+s9], $0x400, s10, s9, $0x38;
	[tilespmem:$0x10000] =	vst v63  }
0x2b: {  	_ =	swait.ge [sflag:s11], $0x10000  }
0x2c: {  	[sflag:s11] =	ssyncset.done $0x0  }
0x2d: {  	[sflag:s11] =	ssyncadd.s32 $0xFFFF0000  }
0x2e: {  	[hbm4b:s3+s9] =	stream.strided.scatter [tilespmem:s2], [sflag:$0x1], $0x10000, s12, s9, $0x38;
	[tilespmem:$0x10000] =	vst v63  }
0x2f: {  	_ = 	snop  }
0x30: {  	[hbm4b:s5+s9] =	stream.strided.scatter [tilespmem:s2], [sflag:$0x1], $0x10000, s12, s9, $0x38;
	[tilespmem:$0x10000] =	vst v63  }
0x31: {  	_ = 	snop  }
0x32: {  	[hbm4b:s6+s9] =	stream.strided.scatter [tilespmem:s2], [sflag:$0x1], $0x10000, s12, s9, $0x38;
	[tilespmem:$0x10000] =	vst v63  }
0x33: {  	_ = 	snop  }
0x34: {  	[hbm4b:s7+s9] =	stream.strided.scatter [tilespmem:s2], [sflag:$0x1], $0x10000, s12, s9, $0x38;
	[tilespmem:$0x10000] =	vst v63  }
0x35: {  	_ =	swait.ge [sflag:s13], $0x10000  }
0x36: {  	[sflag:s13] =	ssyncset.done $0x0  }
0x37: {  	[sflag:s13] =	ssyncadd.s32 $0xFFFF0000  }
0x38: {  	_ =	swait.ge [sflag:s13], $0x10000  }
0x39: {  	[sflag:s13] =	ssyncset.done $0x0  }
0x3a: {  	s14 =	sadd.s32 $0x1, s14;
	[sflag:s13] =	ssyncadd.s32 $0xFFFF0000  }
0x3b: {  	p0 =	sne.s32 s14, s8;
	_ =	swait.ge [sflag:s13], $0x10000  }
.Ltmp1:
0x3c: {  	[sflag:s13] =	ssyncset.done $0x0;
	(pc) =	sbr.rel @p0 .LBB2_1-.Ltmp1, $4  }
0x3d: {  	[sflag:s13] =	ssyncadd.s32 $0xFFFF0000  }
0x3e: {  	_ =	swait.ge [sflag:s13], $0x10000  }
0x3f: {  	[sflag:s13] =	ssyncset.done $0x0  }
0x40: {  	[sflag:s13] =	ssyncadd.s32 $0xFFFF0000  }
0x41: {  	_ =	sfence.sel $0x180000  }
0x42: {  	[bflag:$0x0] =	sbarrier.arrive $0xFFFF  }
0x43: {  	p0 =	sne.s32 s1, $0x0;
	_ =	strace $0x90000047  }
0x44: {  	s0 =	sadd.s32 @!p0 $0x100000, s0;
	[bflag:$0x2] =	sbarrier.arrive $0xFFFF  }
0x45: {  	[sflag:s0] =	ssyncadd.tile.s32 @!p0 $0x1;
	_ =	shalt  }
.Lfunc_end2:
_tile_overlayer_lowered:
.L_overlay_start_2:
0x46: {  	(tag) =	ssettag $0x2  }
0x47: {  	s0 =	rddreg [dreg:$0x0];
	s2 =	stileid.u32  }
0x48: {  	s1 =	rddreg [dreg:$0x1];
	p0 =	sne.s32 s2, $0x0  }
0x49: {  	s3 =	rddreg [dreg:$0x2];
	[bflag:$0x3] =	sbarrier.arrive $0xFFFF;
	s2 =	simm.s32 @!p0 $0x1C02  }
0x4a: {  	[timem:s3], [sflag:s2] =	dma.local @!p0 [hbm:s0], s1  }
0x4b: {  	s0 =	simm.s32 @!p0 $0x2  }
0x4c: {  	_ =	swait.ge @!p0 [sflag:s0], s1  }
0x4d: {  	s1 =	ssub.s32 @!p0 $0x0, s1;
	[sflag:s0] =	ssyncset.done @!p0 $0x0  }
0x4e: {  	[sflag:s0] =	ssyncadd.s32 @!p0 s1  }
0x4f: {  	[bflag:$0x3] =	sbarrier.arrive $0xFFFF  }
0x50: {  	_ =	shalt  }

</sc_bundles>
